<compile_context>
chip_gen: v7x
topology: tpu7x:2x2x1
jax: 0.10.2.dev20260603
libtpu: 0.0.44.dev20260713+nightly
codegen_flags: <defaults>
</compile_context>

<pallas_src>
import functools

import jax
import jax.numpy as jnp
from jax import lax
from jax.experimental import pallas as pl
from jax.experimental.pallas import tpu as pltpu
from jax.experimental.pallas import tpu_sc as plsc

_NCORES = 2
_NSUB = 16
_NW = _NCORES * _NSUB
_LANES = 16
_WAVE = 16
_LP = 64


def _sc_gather_body(nb_per_w, NI, F, NIP,
                    choosers_hbm, cs_hbm, thetas_hbm, int_hbm, gi_hbm,
                    theta_out, add_out,
                    choosers_v, cs_v, rows_v, tail_v, theta_blk_v, theta_v,
                    add_v, giv, sem_g, sem_t):
    cid = lax.axis_index("c")
    sid = lax.axis_index("s")
    wid = sid * _NCORES + cid
    b0 = wid * nb_per_w
    n_waves = nb_per_w // _WAVE

    pltpu.sync_copy(choosers_hbm.at[pl.ds(b0, nb_per_w)], choosers_v)
    pltpu.sync_copy(cs_hbm.at[pl.ds(b0 * _LP, nb_per_w * _LP)], cs_v)
    pltpu.sync_copy(gi_hbm, giv)

    def row_id(b):
        vec = plsc.load_gather(choosers_v,
                               [jnp.full((_LANES,), b, jnp.int32)])
        return jnp.max(vec)

    n_strips = NI // 128
    tail = NI - n_strips * 128
    main_w = n_strips * 128

    def fire(w):
        for i in range(_WAVE):
            b = w * _WAVE + i
            r = row_id(b)
            slot = ((w % 2) * _WAVE + i) * NIP
            slot8 = ((w % 2) * _WAVE + i) * 8
            for s in range(n_strips):
                pltpu.async_copy(int_hbm.at[r, pl.ds(s * 128, 128)],
                                 rows_v.at[pl.ds(slot + s * 128, 128)],
                                 sem_g)
            r8 = pl.multiple_of(r & (-8), 8)
            pltpu.async_copy(
                int_hbm.at[pl.ds(r8, 8), pl.ds(main_w, tail)],
                tail_v.at[pl.ds(slot8, 8), :], sem_g)
            pltpu.async_copy(thetas_hbm.at[pl.ds(r8, 8), :],
                             theta_blk_v.at[pl.ds(slot8, 8), :], sem_t)

    def drain(w):
        for i in range(_WAVE):
            b = w * _WAVE + i
            for s in range(n_strips):
                pltpu.make_async_copy(
                    int_hbm.at[0, pl.ds(s * 128, 128)],
                    rows_v.at[pl.ds(s * 128, 128)], sem_g).wait()
            pltpu.make_async_copy(
                int_hbm.at[pl.ds(0, 8), pl.ds(main_w, tail)],
                tail_v.at[pl.ds(0, 8), :], sem_g).wait()
            pltpu.make_async_copy(thetas_hbm.at[pl.ds(0, 8), :],
                                  theta_blk_v.at[pl.ds(0, 8), :],
                                  sem_t).wait()

    def process(w):
        for i in range(_WAVE):
            b = w * _WAVE + i
            r = row_id(b)
            slot = ((w % 2) * _WAVE + i) * NIP
            srow = ((w % 2) * _WAVE + i) * 8 + (r & 7)
            srow_vec = jnp.full((_LANES,), srow, jnp.int32)
            for j in range(_LP // _LANES):
                item = cs_v[pl.ds(b * _LP + j * _LANES, _LANES)]
                in_main = item < main_w
                main_idx = slot + jnp.where(in_main, item, 0)
                tail_col = jnp.where(in_main, 0, item - main_w)
                v = jnp.where(in_main,
                              plsc.load_gather(rows_v, [main_idx]),
                              plsc.load_gather(tail_v,
                                               [srow_vec, tail_col]))
                add_v[pl.ds(b * _LP + j * _LANES, _LANES)] = (
                    v + plsc.load_gather(giv, [item]))
            for j in range(F // _LANES):
                col = j * _LANES + lax.iota(jnp.int32, _LANES)
                theta_v[pl.ds(b * F + j * _LANES, _LANES)] = (
                    plsc.load_gather(theta_blk_v, [srow_vec, col]))

    if True:
        pass
    else:
        fire(0)

        def wave_body(w, _):
            @pl.when(w + 1 < n_waves)
            def _fire_next():
                fire(w + 1)
            drain(w)
            process(w)
            return 0

        lax.fori_loop(0, n_waves, wave_body, 0)

    pltpu.sync_copy(theta_v, theta_out.at[pl.ds(b0 * F, nb_per_w * F)])
    pltpu.sync_copy(add_v, add_out.at[pl.ds(b0 * _LP, nb_per_w * _LP)])


def _sc_gather(choosers, cs_pad, thetas, intercepts, gi):
    B = choosers.shape[0]
    NC, F = thetas.shape
    NI = gi.shape[0]
    NIP = (NI // 128) * 128
    tail = NI - NIP
    nb_per_w = B // _NW

    mesh = plsc.VectorSubcoreMesh(core_axis_name="c", subcore_axis_name="s",
                                  num_cores=_NCORES, num_subcores=_NSUB)
    body = functools.partial(_sc_gather_body, nb_per_w, NI, F, NIP)
    return pl.kernel(
        body,
        out_type=(jax.ShapeDtypeStruct((B * F,), jnp.float32),
                  jax.ShapeDtypeStruct((B * _LP,), jnp.float32)),
        mesh=mesh,
        compiler_params=pltpu.CompilerParams(needs_layout_passes=False,
                                             skip_device_barrier=True),
        scratch_types=[
            pltpu.VMEM((nb_per_w,), jnp.int32),
            pltpu.VMEM((nb_per_w * _LP,), jnp.int32),
            pltpu.VMEM((2 * _WAVE * NIP,), jnp.float32),
            pltpu.VMEM((2 * _WAVE * 8, tail), jnp.float32),
            pltpu.VMEM((2 * _WAVE * 8, F), jnp.float32),
            pltpu.VMEM((nb_per_w * F,), jnp.float32),
            pltpu.VMEM((nb_per_w * _LP,), jnp.float32),
            pltpu.VMEM((NI,), jnp.float32),
            pltpu.SemaphoreType.DMA,
            pltpu.SemaphoreType.DMA,
        ],
    )(choosers, cs_pad, thetas, intercepts, gi)


def _tc_finish_body(feat_ref, th_ref, gt_ref, add_ref, sz_ref, out_ref):
    th = gt_ref[...] + th_ref[...]
    u = jnp.sum(th[:, None, :] * feat_ref[...], axis=-1)
    BB, L = u.shape
    sz = sz_ref[0, 0, :]
    mask = lax.broadcasted_iota(jnp.int32, (BB, L), 1) >= sz[:, None]
    u = jnp.where(mask, -jnp.inf, u + add_ref[...])
    m = jnp.max(u, axis=-1, keepdims=True)
    e = jnp.exp(u - m)
    out_ref[...] = u - m - jnp.log(jnp.sum(e, axis=-1, keepdims=True))


def _tc_finish(feat, theta_rows, gt, add_term, sizes):
    B, L, F = feat.shape
    BB = 256
    NB = B // BB
    sizes3 = sizes.reshape(NB, 1, BB)
    return pl.pallas_call(
        _tc_finish_body,
        grid=(NB,),
        in_specs=[
            pl.BlockSpec((BB, L, F), lambda i: (i, 0, 0)),
            pl.BlockSpec((BB, F), lambda i: (i, 0)),
            pl.BlockSpec((1, F), lambda i: (0, 0)),
            pl.BlockSpec((BB, L), lambda i: (i, 0)),
            pl.BlockSpec((1, 1, BB), lambda i: (i, 0, 0)),
        ],
        out_specs=pl.BlockSpec((BB, L), lambda i: (i, 0)),
        out_shape=jax.ShapeDtypeStruct((B, L), jnp.float32),
    )(feat, theta_rows, gt.reshape(1, F), add_term, sizes3)


def kernel(choice_set_features, choice_set_sizes, choosers, choice_sets,
           thetas, global_theta, intercepts, global_intercept):
    B, L, F = choice_set_features.shape
    NC, NI = intercepts.shape
    choosers = choosers.astype(jnp.int32)
    cs_pad = jnp.pad(choice_sets.astype(jnp.int32),
                     ((0, 0), (0, _LP - L))).reshape(B * _LP)
    mesh = plsc.VectorSubcoreMesh(core_axis_name="c", subcore_axis_name="s",
                                  num_cores=_NCORES, num_subcores=_NSUB)

    def tiny_body(ch_hbm, cs2_hbm, gi2_hbm, th_hbm, out_hbm,
                  tout_hbm, aout_hbm,
                  buf, b2, b3, b4, b5, b6, b6i, bgi, sem):
        cid = lax.axis_index("c")
        sid = lax.axis_index("s")
        wid = sid * _NCORES + cid
        pltpu.sync_copy(ch_hbm.at[pl.ds(wid * 128, 128)], buf)
        pltpu.sync_copy(cs2_hbm.at[pl.ds(wid * 8192, 8192)], b6i)
        pltpu.sync_copy(gi2_hbm, bgi)
        pltpu.sync_copy(buf, out_hbm.at[pl.ds(wid * 128, 128)])
        pltpu.sync_copy(b5, tout_hbm.at[pl.ds(wid * 8192, 8192)])
        pltpu.sync_copy(b6, aout_hbm.at[pl.ds(wid * 8192, 8192)])

    probe, _t, _a = pl.kernel(
        tiny_body,
        out_type=(jax.ShapeDtypeStruct((B,), jnp.int32),
                  jax.ShapeDtypeStruct((B * 64,), jnp.float32),
                  jax.ShapeDtypeStruct((B * 64,), jnp.float32)),
        mesh=mesh,
        compiler_params=pltpu.CompilerParams(needs_layout_passes=False,
                                             use_tc_tiling_on_sc=True),
        scratch_types=[pltpu.VMEM((128,), jnp.int32),
                       pltpu.VMEM((2 * _WAVE * 896,), jnp.float32),
                       pltpu.VMEM((2 * _WAVE * 8, 104), jnp.float32),
                       pltpu.VMEM((2 * _WAVE * 8, 64), jnp.float32),
                       pltpu.VMEM((128 * 64,), jnp.float32),
                       pltpu.VMEM((128 * 64,), jnp.float32),
                       pltpu.VMEM((128 * 64,), jnp.int32),
                       pltpu.VMEM((1000,), jnp.float32),
                       pltpu.SemaphoreType.DMA],
    )(choosers, cs_pad, global_intercept, thetas)
    add_term = cs_pad.reshape(B, _LP)[:, :L].astype(jnp.float32)
    return add_term + probe.reshape(B, 1).astype(jnp.float32)

# --- scband reference (transcript-rebuilt; emitter-appended) ---
"""Pipeline reference for scband-per-chooser-conditional-logit-31224412242633 (READ-ONLY COPY).

The authoritative reference and input builder live on the scoring server;
editing this copy changes nothing except your own understanding.
"""

import jax, jax.numpy as jnp
import numpy as np

B, L, F = 4096, 50, 64
NC, NI = 100000, 1000

def setup_inputs(seed: int = 0) -> dict:
    key = jax.random.key(seed)
    k1, k2, k3, k4, k5, k6, k7, k8 = jax.random.split(key, 8)
    choice_set_features = jax.random.normal(k1, (B, L, F), dtype=jnp.float32)
    # clamp sizes to >=1 so no choice set is fully masked (avoids all -inf rows -> NaN)
    choice_set_sizes = jnp.maximum(jax.random.randint(k2, (B,), 0, L), 1)
    choosers = jax.random.randint(k3, (B,), 0, NC)
    choice_sets = jax.random.randint(k4, (B, L), 0, NI)
    # learned parameters (module inits to zeros; use small random values for a nontrivial reference)
    thetas = jax.random.normal(k5, (NC, F), dtype=jnp.float32) * 0.02
    global_theta = jax.random.normal(k6, (F,), dtype=jnp.float32) * 0.02
    intercepts = jax.random.normal(k7, (NC, NI), dtype=jnp.float32) * 0.02
    global_intercept = jax.random.normal(k8, (NI,), dtype=jnp.float32) * 0.02
    return {
        'choice_set_features': choice_set_features,
        'choice_set_sizes': choice_set_sizes,
        'choosers': choosers,
        'choice_sets': choice_sets,
        'thetas': thetas,
        'global_theta': global_theta,
        'intercepts': intercepts,
        'global_intercept': global_intercept,
    }

def reference(choice_set_features, choice_set_sizes, choosers, choice_sets,
              thetas, global_theta, intercepts, global_intercept):
    batch_size, max_len, num_feats = choice_set_features.shape
    # per-chooser theta gather + utility
    per_theta = jnp.take(thetas, choosers, axis=0)  # [B, F]
    utilities = ((global_theta[None, None, :] + per_theta[:, None, :]) * choice_set_features).sum(-1)  # [B, L]
    # mask padding positions
    mask = jnp.arange(max_len)[None, :] >= choice_set_sizes[:, None]  # [B, L]
    utilities = jnp.where(mask, -jnp.inf, utilities)
    # per-chooser item intercepts: gather rows then gather along items
    per_intercepts = jnp.take(intercepts, choosers, axis=0)  # [B, NI]
    utilities = utilities + jnp.take_along_axis(per_intercepts, choice_sets, axis=1)
    # global item intercepts only at valid positions
    utilities = utilities + jnp.where(~mask, jnp.take(global_intercept, choice_sets, axis=0), 0.0)
    return jax.nn.log_softmax(utilities, axis=1)

if __name__ == "__main__":
    import jax
    _d = setup_inputs()
    print(jax.jit(kernel)(*tuple(_d.values())))

</pallas_src>

<mosaic_0001>
#map = affine_map<(d0, d1) -> (0)>
#map1 = affine_map<(d0, d1) -> (0, 0)>
module attributes {stable_mosaic.version = 14 : i64} {
  func.func @tiny_body(%arg0: i32, %arg1: i32, %arg2: memref<4096xi32, #tpu.memory_space<hbm>>, %arg3: memref<262144xi32, #tpu.memory_space<hbm>>, %arg4: memref<1000xf32, #tpu.memory_space<hbm>>, %arg5: memref<100000x64xf32, #tpu.memory_space<hbm>>, %arg6: memref<4096xi32, #tpu.memory_space<hbm>>, %arg7: memref<262144xf32, #tpu.memory_space<hbm>>, %arg8: memref<262144xf32, #tpu.memory_space<hbm>>, %arg9: memref<128xi32, #tpu.memory_space<vmem>>, %arg10: memref<28672xf32, #tpu.memory_space<vmem>>, %arg11: memref<256x104xf32, #tpu.memory_space<vmem>>, %arg12: memref<256x64xf32, #tpu.memory_space<vmem>>, %arg13: memref<8192xf32, #tpu.memory_space<vmem>>, %arg14: memref<8192xf32, #tpu.memory_space<vmem>>, %arg15: memref<8192xi32, #tpu.memory_space<vmem>>, %arg16: memref<1000xf32, #tpu.memory_space<vmem>>, %arg17: memref<!tpu.dma_semaphore, #tpu.memory_space<semaphore_mem>>) attributes {dimension_semantics = [#tpu.dimension_semantics<core_parallel>, #tpu.dimension_semantics<subcore_parallel>], iteration_bounds = array<i64: 2, 16>, scalar_prefetch = 0 : i64, scratch_operands = 9 : i64, tpu.core_type = #tpu.core_type<sc_vector_subcore>, window_params = [{transform_indices = #map}, {transform_indices = #map}, {transform_indices = #map}, {transform_indices = #map1}, {transform_indices = #map}, {transform_indices = #map}, {transform_indices = #map}]} {
    %mul3A = arith.constant 2 : i32
    %mul3A_0 = arith.muli %arg1, %mul3A : i32
    %add3A = arith.addi %mul3A_0, %arg0 : i32
    %mul3A_1 = arith.constant 128 : i32
    %mul3A_2 = arith.muli %add3A, %mul3A_1 : i32
    "tpu.region"() ({
      %run_scoped3A = tpu.sem_alloc : memref<!tpu.dma_semaphore, #tpu.memory_space<semaphore_mem>>
      %dma_start3A = tpu.memref_slice %arg2[%mul3A_2] : memref<4096xi32, #tpu.memory_space<hbm>> -> memref<128xi32, #tpu.memory_space<hbm>>
      %dma_start3A_11 = tpu.memref_slice %arg2[%mul3A_2] : memref<4096xi32, #tpu.memory_space<hbm>> -> memref<128xi32, #tpu.memory_space<hbm>>
      tpu.enqueue_dma source(%dma_start3A_11 : memref<128xi32, #tpu.memory_space<hbm>>) target(%arg9 : memref<128xi32, #tpu.memory_space<vmem>>) target_semaphore(%run_scoped3A : memref<!tpu.dma_semaphore, #tpu.memory_space<semaphore_mem>>)
      %dma_wait3A = tpu.memref_slice %arg2[%mul3A_2] : memref<4096xi32, #tpu.memory_space<hbm>> -> memref<128xi32, #tpu.memory_space<hbm>>
      %dma_wait3A_12 = tpu.memref_slice %arg2[%mul3A_2] : memref<4096xi32, #tpu.memory_space<hbm>> -> memref<128xi32, #tpu.memory_space<hbm>>
      tpu.wait_dma2 semaphore(%run_scoped3A : memref<!tpu.dma_semaphore, #tpu.memory_space<semaphore_mem>>) src(%dma_wait3A_12 : memref<128xi32, #tpu.memory_space<hbm>>) dst(%arg9 : memref<128xi32, #tpu.memory_space<vmem>>)
      tpu.yield
    }) : () -> ()
    %mul3A_3 = arith.constant 8192 : i32
    %mul3A_4 = arith.muli %add3A, %mul3A_3 : i32
    "tpu.region"() ({
      %run_scoped3A = tpu.sem_alloc : memref<!tpu.dma_semaphore, #tpu.memory_space<semaphore_mem>>
      %dma_start3A = tpu.memref_slice %arg3[%mul3A_4] : memref<262144xi32, #tpu.memory_space<hbm>> -> memref<8192xi32, #tpu.memory_space<hbm>>
      %dma_start3A_11 = tpu.memref_slice %arg3[%mul3A_4] : memref<262144xi32, #tpu.memory_space<hbm>> -> memref<8192xi32, #tpu.memory_space<hbm>>
      tpu.enqueue_dma source(%dma_start3A_11 : memref<8192xi32, #tpu.memory_space<hbm>>) target(%arg15 : memref<8192xi32, #tpu.memory_space<vmem>>) target_semaphore(%run_scoped3A : memref<!tpu.dma_semaphore, #tpu.memory_space<semaphore_mem>>)
      %dma_wait3A = tpu.memref_slice %arg3[%mul3A_4] : memref<262144xi32, #tpu.memory_space<hbm>> -> memref<8192xi32, #tpu.memory_space<hbm>>
      %dma_wait3A_12 = tpu.memref_slice %arg3[%mul3A_4] : memref<262144xi32, #tpu.memory_space<hbm>> -> memref<8192xi32, #tpu.memory_space<hbm>>
      tpu.wait_dma2 semaphore(%run_scoped3A : memref<!tpu.dma_semaphore, #tpu.memory_space<semaphore_mem>>) src(%dma_wait3A_12 : memref<8192xi32, #tpu.memory_space<hbm>>) dst(%arg15 : memref<8192xi32, #tpu.memory_space<vmem>>)
      tpu.yield
    }) : () -> ()
    "tpu.region"() ({
      %run_scoped3A = tpu.sem_alloc : memref<!tpu.dma_semaphore, #tpu.memory_space<semaphore_mem>>
      tpu.enqueue_dma source(%arg4 : memref<1000xf32, #tpu.memory_space<hbm>>) target(%arg16 : memref<1000xf32, #tpu.memory_space<vmem>>) target_semaphore(%run_scoped3A : memref<!tpu.dma_semaphore, #tpu.memory_space<semaphore_mem>>)
      tpu.wait_dma2 semaphore(%run_scoped3A : memref<!tpu.dma_semaphore, #tpu.memory_space<semaphore_mem>>) src(%arg4 : memref<1000xf32, #tpu.memory_space<hbm>>) dst(%arg16 : memref<1000xf32, #tpu.memory_space<vmem>>)
      tpu.yield
    }) : () -> ()
    %mul3A_5 = arith.constant 128 : i32
    %mul3A_6 = arith.muli %add3A, %mul3A_5 : i32
    "tpu.region"() ({
      %run_scoped3A = tpu.sem_alloc : memref<!tpu.dma_semaphore, #tpu.memory_space<semaphore_mem>>
      %dma_start3A = tpu.memref_slice %arg6[%mul3A_6] : memref<4096xi32, #tpu.memory_space<hbm>> -> memref<128xi32, #tpu.memory_space<hbm>>
      %dma_start3A_11 = tpu.memref_slice %arg6[%mul3A_6] : memref<4096xi32, #tpu.memory_space<hbm>> -> memref<128xi32, #tpu.memory_space<hbm>>
      tpu.enqueue_dma source(%arg9 : memref<128xi32, #tpu.memory_space<vmem>>) target(%dma_start3A_11 : memref<128xi32, #tpu.memory_space<hbm>>) target_semaphore(%run_scoped3A : memref<!tpu.dma_semaphore, #tpu.memory_space<semaphore_mem>>)
      %dma_wait3A = tpu.memref_slice %arg6[%mul3A_6] : memref<4096xi32, #tpu.memory_space<hbm>> -> memref<128xi32, #tpu.memory_space<hbm>>
      %dma_wait3A_12 = tpu.memref_slice %arg6[%mul3A_6] : memref<4096xi32, #tpu.memory_space<hbm>> -> memref<128xi32, #tpu.memory_space<hbm>>
      tpu.wait_dma2 semaphore(%run_scoped3A : memref<!tpu.dma_semaphore, #tpu.memory_space<semaphore_mem>>) src(%arg9 : memref<128xi32, #tpu.memory_space<vmem>>) dst(%dma_wait3A_12 : memref<128xi32, #tpu.memory_space<hbm>>)
      tpu.yield
    }) : () -> ()
    %mul3A_7 = arith.constant 8192 : i32
    %mul3A_8 = arith.muli %add3A, %mul3A_7 : i32
    "tpu.region"() ({
      %run_scoped3A = tpu.sem_alloc : memref<!tpu.dma_semaphore, #tpu.memory_space<semaphore_mem>>
      %dma_start3A = tpu.memref_slice %arg7[%mul3A_8] : memref<262144xf32, #tpu.memory_space<hbm>> -> memref<8192xf32, #tpu.memory_space<hbm>>
      %dma_start3A_11 = tpu.memref_slice %arg7[%mul3A_8] : memref<262144xf32, #tpu.memory_space<hbm>> -> memref<8192xf32, #tpu.memory_space<hbm>>
      tpu.enqueue_dma source(%arg13 : memref<8192xf32, #tpu.memory_space<vmem>>) target(%dma_start3A_11 : memref<8192xf32, #tpu.memory_space<hbm>>) target_semaphore(%run_scoped3A : memref<!tpu.dma_semaphore, #tpu.memory_space<semaphore_mem>>)
      %dma_wait3A = tpu.memref_slice %arg7[%mul3A_8] : memref<262144xf32, #tpu.memory_space<hbm>> -> memref<8192xf32, #tpu.memory_space<hbm>>
      %dma_wait3A_12 = tpu.memref_slice %arg7[%mul3A_8] : memref<262144xf32, #tpu.memory_space<hbm>> -> memref<8192xf32, #tpu.memory_space<hbm>>
      tpu.wait_dma2 semaphore(%run_scoped3A : memref<!tpu.dma_semaphore, #tpu.memory_space<semaphore_mem>>) src(%arg13 : memref<8192xf32, #tpu.memory_space<vmem>>) dst(%dma_wait3A_12 : memref<8192xf32, #tpu.memory_space<hbm>>)
      tpu.yield
    }) : () -> ()
    %mul3A_9 = arith.constant 8192 : i32
    %mul3A_10 = arith.muli %add3A, %mul3A_9 : i32
    "tpu.region"() ({
      %run_scoped3A = tpu.sem_alloc : memref<!tpu.dma_semaphore, #tpu.memory_space<semaphore_mem>>
      %dma_start3A = tpu.memref_slice %arg8[%mul3A_10] : memref<262144xf32, #tpu.memory_space<hbm>> -> memref<8192xf32, #tpu.memory_space<hbm>>
      %dma_start3A_11 = tpu.memref_slice %arg8[%mul3A_10] : memref<262144xf32, #tpu.memory_space<hbm>> -> memref<8192xf32, #tpu.memory_space<hbm>>
      tpu.enqueue_dma source(%arg14 : memref<8192xf32, #tpu.memory_space<vmem>>) target(%dma_start3A_11 : memref<8192xf32, #tpu.memory_space<hbm>>) target_semaphore(%run_scoped3A : memref<!tpu.dma_semaphore, #tpu.memory_space<semaphore_mem>>)
      %dma_wait3A = tpu.memref_slice %arg8[%mul3A_10] : memref<262144xf32, #tpu.memory_space<hbm>> -> memref<8192xf32, #tpu.memory_space<hbm>>
      %dma_wait3A_12 = tpu.memref_slice %arg8[%mul3A_10] : memref<262144xf32, #tpu.memory_space<hbm>> -> memref<8192xf32, #tpu.memory_space<hbm>>
      tpu.wait_dma2 semaphore(%run_scoped3A : memref<!tpu.dma_semaphore, #tpu.memory_space<semaphore_mem>>) src(%arg14 : memref<8192xf32, #tpu.memory_space<vmem>>) dst(%dma_wait3A_12 : memref<8192xf32, #tpu.memory_space<hbm>>)
      tpu.yield
    }) : () -> ()
    return
  }
}

</mosaic_0001>

<sc_bundles>
// kernel: kernel.3.cloned.1.call-start
scs
__scs_entry_jumppad:
0x0: {  	(pc) =	sbr.rel $0x88, $3  }
0x1: {  	(tag) =	ssettag $0x0;
	lr =	simm.s32 $0x1  }
0x2: {  	[smem:$0x3F9D] =	sst lr;
	_ =	strace $0xD0000000  }
0x3: {  	_ = 	snop  }
0x4: {  	_ = 	snop  }
0x5: {  	_ = 	snop  }
0x6: {  	_ = 	snop  }
0x7: {  	_ = 	snop  }
__scs_overlays_trampoline_lowered:
0x8: {  	[smem:$0x3FAC] =	sst s0  }
0x9: {  	[smem:$0x3FAD] =	sst s1  }
0xa: {  	[smem:$0x3FAE] =	sst s2  }
0xb: {  	[smem:$0x3FAF] =	sst s3  }
0xc: {  	[smem:$0x3FB0] =	sst s4  }
0xd: {  	[smem:$0x3FB1] =	sst s5  }
0xe: {  	[smem:$0x3FB2] =	sst s6  }
0xf: {  	[smem:$0x3FB3] =	sst s7  }
0x10: {  	[smem:$0x3FB4] =	sst s8  }
0x11: {  	[smem:$0x3FB5] =	sst s9;
	s0 =	simm.s32 @!p0 $0x0  }
0x12: {  	s1 =	sld [smem:$0x3F9B];
	s0 =	simm.s32 @p0 $0x1  }
0x13: {  	[smem:$0x3FB6] =	sst s0;
	s0 =	simm.s32 @!p1 $0x0  }
0x14: {  	s2 =	sld [smem:$0x3F9A];
	s0 =	simm.s32 @p1 $0x1  }
0x15: {  	[smem:$0x3FB7] =	sst s0;
	s0 =	simm.s32 @!p2 $0x0  }
0x16: {  	s3 =	sld [smem:$0x3FDB];
	s0 =	simm.s32 @p2 $0x1  }
0x17: {  	s4 =	simm.s32 $0x1BF5;
	[smem:$0x3FB9] =	sst s0  }
0x18: {  	s0 =	sld [smem:$0x3F9C];
	_ =	swait.ge [sflag:s4], $0x0  }
0x19: {  	s7 =	sld [smem:$0x3F9D]  }
0x1a: {  	s8 =	sadd.s32 $0xFFFFE003, lr  }
0x1b: {  	s9 =	sadd.s32 $0xFFFFFEF7, lr;
	s5 =	simm.s32 $0xFFFFFFFF;
	p2 =	slt.u32 s8, $0xFFFFF086  }
0x1c: {  	p1 =	slt.u32 s9, $0xF7A;
	s5 =	simm.s32 @!p2 $0x0  }
0x1d: {  	s5 =	simm.s32 @p1 $0x1;
	p0 =	seq.s32 s7, s2  }
0x1e: {  	s7 =	smul.u32 @!p0 $0xF7A, s2;
	p2 =	seq.s32 @!p0 s5, $0x0  }
0x1f: {  	s9 =	smul.u32 $0xF7A, s1;
	s8 =	simm.s32 @!p0 $0x1BF5;
	p2 =	por !p2, p0  }
0x20: {  	[sflag:s8] =	ssyncset.s32 @!p0 $0xFFFFF086;
	s6 =	sadd.s32 @!p0 s3, s7;
	s7 =	simm.s32 @!p0 $0x108  }
0x21: {  	s3 =	sadd.s32 s3, s9;
	s6 =	sadd.s32 @!p0 $0x88, s6;
	s7 =	simm.s32 @p2 $0x1082  }
0x22: {  	[simem:s7], [sflag:s8] =	dma.local @!p0 [hbm:s6], $0xF7A  }
0x23: {  	s9 =	sor.u32 $0xD0000000, s2;
	s6 =	simm.s32 $0x108;
	_ =	swait.ge @!p0 [sflag:s8], $0x0  }
0x24: {  	s3 =	sadd.s32 $0x88, s3;
	s6 =	simm.s32 @!p1 $0x1082;
	[sflag:s4] =	ssyncset.s32 $0xFFFFF086  }
0x25: {  	[simem:s6], [sflag:s4] =	dma.local [hbm:s3], $0xF7A  }
0x26: {  	[smem:$0x3F9D] =	sst s1;
	(tag) =	ssettag s2;
	_ =	strace s9  }
0x27: {  	s1 =	sld [smem:$0x3FAD]  }
0x28: {  	s2 =	sld [smem:$0x3FAE]  }
0x29: {  	s4 =	sld [smem:$0x3FB0]  }
0x2a: {  	p0 =	seq.s32 s5, $0x0;
	s5 =	sld [smem:$0x3FB1]  }
0x2b: {  	s6 =	sld [smem:$0x3FB2]  }
0x2c: {  	s7 =	sld [smem:$0x3FB3]  }
0x2d: {  	s3 =	simm.s32 $0x108;
	s8 =	sld [smem:$0x3FB4]  }
0x2e: {  	s3 =	simm.s32 @!p0 $0x1082;
	s9 =	sld [smem:$0x3FB5]  }
0x2f: {  	lr =	sadd.s32 s0, s3;
	s0 =	sld [smem:$0x3FAC]  }
0x30: {  	s3 =	sld [smem:$0x3FAF]  }
0x31: {  	[smem:$0x3FB8] =	sst s10  }
0x32: {  	s10 =	sld [smem:$0x3FB6];
	_ =	sdelay $0x3  }
0x33: {  	p0 =	seq.s32 s10, $0x1;
	s10 =	sld [smem:$0x3FB8];
	_ =	sdelay $0x3  }
0x34: {  	[smem:$0x3FB8] =	sst s10  }
0x35: {  	s10 =	sld [smem:$0x3FB7];
	_ =	sdelay $0x3  }
0x36: {  	p1 =	seq.s32 s10, $0x1;
	s10 =	sld [smem:$0x3FB8];
	_ =	sdelay $0x3  }
0x37: {  	[smem:$0x3FB8] =	sst s10  }
0x38: {  	s10 =	sld [smem:$0x3FB9]  }
0x39: {  	_ = 	snop;
	(pc) =	sbr.ind lr, $3  }
0x3a: {  	_ = 	snop  }
0x3b: {  	_ = 	snop  }
0x3c: {  	p2 =	seq.s32 s10, $0x1;
	s10 =	sld [smem:$0x3FB8]  }
0x3d: {  	_ =	shalt  }
0x3e: {  	_ =	shalt  }
0x3f: {  	_ =	shalt  }
0x40: {  	_ =	shalt  }
0x41: {  	_ =	shalt  }
0x42: {  	_ =	shalt  }
0x43: {  	_ =	shalt  }
0x44: {  	_ =	shalt  }
0x45: {  	_ =	shalt  }
0x46: {  	_ =	shalt  }
0x47: {  	_ =	shalt  }
0x48: {  	_ =	shalt  }
0x49: {  	_ =	shalt  }
0x4a: {  	_ =	shalt  }
0x4b: {  	_ =	shalt  }
0x4c: {  	_ =	shalt  }
0x4d: {  	_ =	shalt  }
0x4e: {  	_ =	shalt  }
0x4f: {  	_ =	shalt  }
0x50: {  	_ =	shalt  }
0x51: {  	_ =	shalt  }
0x52: {  	_ =	shalt  }
0x53: {  	_ =	shalt  }
0x54: {  	_ =	shalt  }
0x55: {  	_ =	shalt  }
0x56: {  	_ =	shalt  }
0x57: {  	_ =	shalt  }
0x58: {  	_ =	shalt  }
0x59: {  	_ =	shalt  }
0x5a: {  	_ =	shalt  }
0x5b: {  	_ =	shalt  }
0x5c: {  	_ =	shalt  }
0x5d: {  	_ =	shalt  }
0x5e: {  	_ =	shalt  }
0x5f: {  	_ =	shalt  }
0x60: {  	_ =	shalt  }
0x61: {  	_ =	shalt  }
0x62: {  	_ =	shalt  }
0x63: {  	_ =	shalt  }
0x64: {  	_ =	shalt  }
0x65: {  	_ =	shalt  }
0x66: {  	_ =	shalt  }
0x67: {  	_ =	shalt  }
0x68: {  	_ =	shalt  }
0x69: {  	_ =	shalt  }
0x6a: {  	_ =	shalt  }
0x6b: {  	_ =	shalt  }
0x6c: {  	_ =	shalt  }
0x6d: {  	_ =	shalt  }
0x6e: {  	_ =	shalt  }
0x6f: {  	_ =	shalt  }
0x70: {  	_ =	shalt  }
0x71: {  	_ =	shalt  }
0x72: {  	_ =	shalt  }
0x73: {  	_ =	shalt  }
0x74: {  	_ =	shalt  }
0x75: {  	_ =	shalt  }
0x76: {  	_ =	shalt  }
0x77: {  	_ =	shalt  }
0x78: {  	_ =	shalt  }
0x79: {  	_ =	shalt  }
0x7a: {  	_ =	shalt  }
0x7b: {  	_ =	shalt  }
0x7c: {  	_ =	shalt  }
0x7d: {  	_ =	shalt  }
0x7e: {  	_ =	shalt  }
0x7f: {  	_ =	shalt  }
0x80: {  	_ =	shalt  }
0x81: {  	_ =	shalt  }
0x82: {  	_ =	shalt  }
0x83: {  	_ =	shalt  }
0x84: {  	_ =	shalt  }
0x85: {  	_ =	shalt  }
0x86: {  	_ =	shalt  }
0x87: {  	_ =	shalt  }
.Lfunc_end0:
.L_simem_size_0:
called_computation_lowered:
.L_overlay_start_0:
0x88: {  	s2 =	sld [smem:$0x3FD9]  }
0x89: {  	s3 =	sld [smem:$0x3FFE];
	_ =	sdelay $0x1  }
0x8a: {  	s1 =	srdreg.scid  }
0x8b: {  	s0 =	sand.u32 $0x1, s1  }
0x8c: {  	s17 =	sshll.u32 s0, $0xA;
	s2 =	sadd.s32 s3, s2  }
0x8d: {  	s2 =	sadd.s32 s2, s17  }
0x8e: {  	[smem:$0x3FC4] =	sst s2  }
0x8f: {  	_ = 	snop  }
0x90: {  	s2 =	sld [smem:$0x3FC9]  }
0x91: {  	s18 =	sld [smem:$0x3FC6]  }
0x92: {  	s4 =	sld [smem:$0x3FD0];
	(tm) =	ssettm $0x1  }
0x93: {  	s5 =	sld [smem:$0x3FFB];
	_ =	sdelay $0x3  }
0x94: {  	_ =	strace s5  }
0x95: {  	s5 =	sld [smem:$0x3FFC];
	_ =	sdelay $0x3  }
0x96: {  	_ =	strace s5  }
0x97: {  	s5 =	sld [smem:$0x3FFD];
	_ =	sdelay $0x3  }
0x98: {  	_ =	strace s5  }
0x99: {  	_ =	strace $0x8FFFFFFF  }
0x9a: {  	s19 =	sld [smem:$0x3FDB];
	_ =	sdelay $0x1  }
0x9b: {  	s6 =	simm.s32 $_scs_section_size  }
0x9c: {  	s7 =	simm.s32 $_size__tile_overlayer_lowered;
	s8 =	simm.s32 $_tile_overlayer_lowered  }
0x9d: {  	s22 =	simm.s32 $0x1BFF;
	s21 =	sshll.u32 s8, $0x1;
	s5 =	sadd.s32 s6, s19  }
0x9e: {  	s9 =	simm.s32 $0x0;
	s20 =	sshll.u32 s7, $0x1;
	s7 =	sadd.s32 s21, s5  }
0x9f: {  	[timem:s9], [sflag:s22] =	dma.local [hbm:s7], s20  }
0xa0: {  	_ =	swait.ge [sflag:s22], s20  }
0xa1: {  	s6 =	ssub.s32 $0x0, s20;
	[sflag:s22] =	ssyncset.done $0x0  }
0xa2: {  	[sflag:s22] =	ssyncadd.s32 s6;
	_ =	sdelay $0x1  }
0xa3: {  	s23 =	simm.s32 $0x1B8B  }
0xa4: {  	_ =	swait.ge [sflag:s23], $0x1  }
0xa5: {  	[sflag:s23] =	ssyncset.done $0x0  }
0xa6: {  	s25 =	simm.s32 $0x1B8E;
	s24 =	sld [smem:$0x3FFE];
	[sflag:s23] =	ssyncadd.s32 $0xFFFFFFFF  }
0xa7: {  	s26 =	simm.s32 $execute0_lowered;
	[smem:$0x3FD2] =	sst s25  }
0xa8: {  	s7 =	sshll.u32 s26, $0x1;
	_ =	strace $0x80000046;
	[dreg:$0x1] =	wrdreg $0xFFFFFFFF  }
0xa9: {  	s28 =	simm.s32 $_size_execute0_lowered;
	s5 =	sadd.s32 s5, s7;
	[dreg:$0x0] =	wrdreg $0x0  }
0xaa: {  	s7 =	sshll.u32 s28, $0x1;
	[dreg:$0x2] =	wrdreg s5  }
0xab: {  	[dreg:$0x3] =	wrdreg s7  }
0xac: {  	[dreg:$0x4] =	wrdreg $0xC0  }
0xad: {  	_ =	task [dreg:s9], $0x5FFFF  }
0xae: {  	[dreg:$0x1] =	wrdreg $0xFFFFFFFF  }
0xaf: {  	[dreg:$0x0] =	wrdreg $0x60  }
0xb0: {  	[dreg:$0x2] =	wrdreg s2  }
0xb1: {  	[dreg:$0x3] =	wrdreg s24  }
0xb2: {  	[dreg:$0x4] =	wrdreg s18  }
0xb3: {  	[dreg:$0x5] =	wrdreg s4  }
0xb4: {  	[dreg:$0x6] =	wrdreg $0x9  }
0xb5: {  	_ =	task.clear_ibuf [dreg:s9], $0x7FFFF;
	_ =	strace $0x90000046  }
0xb6: {  	s29 =	simm.s32 $0x9;
	_ =	strace $0x80000048  }
0xb7: {  	_ =	swait.ge [sflag:s29], $0x1  }
0xb8: {  	[sflag:s29] =	ssyncadd.s32 $0xFFFFFFFF  }
0xb9: {  	_ =	strace $0x90000048  }
0xba: {  	_ =	sfence  }
0xbb: {  	s30 =	sld [smem:$0x0];
	_ =	sdelay $0x2  }
0xbc: {  	s31 =	sshll.u32 s1, $0xD;
	s1 =	sshrl.u32 s1, $0x2  }
0xbd: {  	s3 =	sand.u32 $0x4000, s31;
	s1 =	sadd.s32 s1, s30  }
0xbe: {  	s0 =	sor.u32 s3, s0;
	s1 =	sshll.u32 s1, $0x11  }
0xbf: {  	s0 =	sor.u32 s1, s0  }
0xc0: {  	s0 =	sadd.s32 $0x8F2B, s0  }
0xc1: {  	[sflag:s0] =	ssyncadd.remote.s32 $0x1  }
0xc2: {  	_ =	sfence.sel $0xFFFF  }
0xc3: {  	[dreg:$0x0] =	wrdreg $0xFFFFFFFF;
	(pc) =	sbr.abs _section_cstart, $3  }
0xc4: {  	[dreg:$0x1] =	wrdreg $0xFFFFFFFF  }
0xc5: {  	_ =	task.clear_ibuf [dreg:s9], $0x2FFFF;
	_ =	strace $0x9FFFFFFF  }
0xc6: {  	(tm) =	ssettm $0x7FFFFFFF  }
0xc7: {  	_ =	shalt  }
tec
execute0_lowered:
.L_overlay_start_1:
0x0: {  	(tag) =	ssettag $0x1  }
0x1: {  	s4 =	rddreg [dreg:$0x0]  }
0x2: {  	s6 =	rddreg [dreg:$0x1]  }
0x3: {  	s2 =	rddreg [dreg:$0x2]  }
0x4: {  	s1 =	srdreg.scid;
	s0 =	stileid.u32  }
0x5: {  	s9 =	rddreg [dreg:$0x3];
	s10 =	sand.u32 $0x1, s1;
	s5 =	sshll.u32 s0, $0x1  }
0x6: {  	s3 =	simm.s32 $0x0;
	s1 =	rddreg [dreg:$0x4];
	s7 =	sor.u32 s10, s5  }
0x7: {  	[smem:$0x7FF] =	sst s3;
	s11 =	sshll.u32 s7, $0x4  }
0x8: {  	_ =	strace $0x80000047;
	s5 =	sadd.s32 s4, s11;
	s4 =	simm.s32 $0x1  }
0x9: {  	[tilespmem:s3], [sflag:$0x1] =	stream.linear.gather [hbm4b:s5+s3], $0x80, $0x38;
	[tilespmem:$0x6480] =	vst v63  }
0xa: {  	s7 =	sshll.u32 s7, $0xA;
	_ =	swait.ge [sflag:s4], $0x80  }
0xb: {  	s12 =	sadd.s32 s7, s6;
	[sflag:s4] =	ssyncset.done $0x0  }
0xc: {  	s7 =	simm.s32 $0x4080;
	s6 =	sadd.s32 $0xA00, s12;
	[sflag:s4] =	ssyncadd.s32 $0xFFFFFF80  }
0xd: {  	[tilespmem:s7], [sflag:$0x1] =	stream.linear.gather [hbm4b:s6+s3], $0x2000, $0x38;
	[tilespmem:$0x6480] =	vst v63  }
0xe: {  	_ =	swait.ge [sflag:s4], $0x2000  }
0xf: {  	[sflag:s4] =	ssyncset.done $0x0  }
0x10: {  	s8 =	simm.s32 $0x6080;
	[sflag:s4] =	ssyncadd.s32 $0xFFFFE000  }
0x11: {  	[tilespmem:s8], [sflag:$0x1] =	stream.linear.gather [hbm4b:s2+s3], $0x400, $0x38;
	[tilespmem:$0x6480] =	vst v63  }
0x12: {  	_ =	swait.ge [sflag:s4], $0x400  }
0x13: {  	[sflag:s4] =	ssyncset.done $0x0  }
0x14: {  	s13 =	ssub.s32 $0x2, s10;
	s9 =	sadd.s32 s9, s11;
	[sflag:s4] =	ssyncadd.s32 $0xFFFFFC00  }
0x15: {  	[hbm4b:s9+s3] =	stream.linear.scatter [tilespmem:s3], [sflag:$0x1], $0x80, $0x38;
	[tilespmem:$0x6480] =	vst v63  }
0x16: {  	s14 =	sshrl.u32 s13, $0x1;
	_ =	swait.ge [sflag:s4], $0x80  }
0x17: {  	s11 =	simm.s32 $0x80;
	s13 =	ssub.s32 s13, s14;
	[sflag:s4] =	ssyncset.done $0x0  }
0x18: {  	s10 =	sadd.s32 $0x18F400, s12;
	s14 =	smax.u32 s13, $0x1;
	[sflag:s4] =	ssyncadd.s32 $0xFFFFFF80  }
0x19: {  	[hbm4b:s10+s3] =	stream.linear.scatter [tilespmem:s11], [sflag:$0x1], $0x2000, $0x38;
	[tilespmem:$0x6480] =	vst v63  }
0x1a: {  	p0 =	sne.s32 s14, $0x1;
	_ =	swait.ge [sflag:s4], $0x2000  }
.Ltmp0:
0x1b: {  	[sflag:s4] =	ssyncset.done $0x0;
	(pc) =	sbr.rel @!p0 .LBB2_2-.Ltmp0, $4  }
0x1c: {  	s12 =	sadd.s32 $0x197400, s12;
	s13 =	simm.s32 $0x2080;
	[sflag:s4] =	ssyncadd.s32 $0xFFFFE000  }
0x1d: {  	[hbm4b:s12+s3] =	stream.linear.scatter [tilespmem:s13], [sflag:$0x1], $0x2000, $0x38;
	[tilespmem:$0x6480] =	vst v63  }
0x1e: {  	_ =	swait.ge [sflag:s4], $0x2000  }
0x1f: {  	s14 =	sadd.s32 $0xFFFFFFFF, s14;
	[sflag:s4] =	ssyncset.done $0x0  }
.LBB2_1:
0x20: {  	p0 =	sne.s32 s14, $0x1;
	s14 =	sadd.s32 $0xFFFFFFFF, s14;
	[sflag:s4] =	ssyncadd.s32 $0xFFFFE000  }
0x21: {  	[tilespmem:s3], [sflag:$0x1] =	stream.linear.gather [hbm4b:s5+s3], $0x80, $0x38;
	[tilespmem:$0x6480] =	vst v63  }
0x22: {  	_ =	swait.ge [sflag:s4], $0x80  }
0x23: {  	[sflag:s4] =	ssyncset.done $0x0  }
0x24: {  	[sflag:s4] =	ssyncadd.s32 $0xFFFFFF80  }
0x25: {  	[tilespmem:s7], [sflag:$0x1] =	stream.linear.gather [hbm4b:s6+s3], $0x2000, $0x38;
	[tilespmem:$0x6480] =	vst v63  }
0x26: {  	_ =	swait.ge [sflag:s4], $0x2000  }
0x27: {  	[sflag:s4] =	ssyncset.done $0x0  }
0x28: {  	[sflag:s4] =	ssyncadd.s32 $0xFFFFE000  }
0x29: {  	[tilespmem:s8], [sflag:$0x1] =	stream.linear.gather [hbm4b:s2+s3], $0x400, $0x38;
	[tilespmem:$0x6480] =	vst v63  }
0x2a: {  	_ =	swait.ge [sflag:s4], $0x400  }
0x2b: {  	[sflag:s4] =	ssyncset.done $0x0  }
0x2c: {  	[sflag:s4] =	ssyncadd.s32 $0xFFFFFC00  }
0x2d: {  	[hbm4b:s9+s3] =	stream.linear.scatter [tilespmem:s3], [sflag:$0x1], $0x80, $0x38;
	[tilespmem:$0x6480] =	vst v63  }
0x2e: {  	_ =	swait.ge [sflag:s4], $0x80  }
0x2f: {  	[sflag:s4] =	ssyncset.done $0x0  }
0x30: {  	[sflag:s4] =	ssyncadd.s32 $0xFFFFFF80  }
0x31: {  	[hbm4b:s10+s3] =	stream.linear.scatter [tilespmem:s11], [sflag:$0x1], $0x2000, $0x38;
	[tilespmem:$0x6480] =	vst v63  }
0x32: {  	_ =	swait.ge [sflag:s4], $0x2000  }
.Ltmp1:
0x33: {  	[sflag:s4] =	ssyncset.done $0x0;
	(pc) =	sbr.rel @p0 .LBB2_1-.Ltmp1, $4  }
0x34: {  	[sflag:s4] =	ssyncadd.s32 $0xFFFFE000  }
0x35: {  	[hbm4b:s12+s3] =	stream.linear.scatter [tilespmem:s13], [sflag:$0x1], $0x2000, $0x38;
	[tilespmem:$0x6480] =	vst v63  }
0x36: {  	_ =	swait.ge [sflag:s4], $0x2000  }
0x37: {  	[sflag:s4] =	ssyncset.done $0x0  }
.LBB2_2:
0x38: {  	[sflag:s4] =	ssyncadd.s32 $0xFFFFE000  }
0x39: {  	_ =	sfence.sel $0x180000  }
0x3a: {  	[bflag:$0x0] =	sbarrier.arrive $0xFFFF  }
0x3b: {  	p0 =	sne.s32 s0, $0x0;
	_ =	strace $0x90000047  }
0x3c: {  	s0 =	sadd.s32 @!p0 $0x100000, s1;
	[bflag:$0x2] =	sbarrier.arrive $0xFFFF  }
0x3d: {  	[sflag:s0] =	ssyncadd.tile.s32 @!p0 $0x1;
	_ =	shalt  }
.Lfunc_end2:
_tile_overlayer_lowered:
.L_overlay_start_2:
0x3e: {  	(tag) =	ssettag $0x2  }
0x3f: {  	s0 =	rddreg [dreg:$0x0];
	s2 =	stileid.u32  }
0x40: {  	s1 =	rddreg [dreg:$0x1];
	p0 =	sne.s32 s2, $0x0  }
0x41: {  	s3 =	rddreg [dreg:$0x2];
	[bflag:$0x3] =	sbarrier.arrive $0xFFFF;
	s2 =	simm.s32 @!p0 $0x1C01  }
0x42: {  	[timem:s3], [sflag:s2] =	dma.local @!p0 [hbm:s0], s1  }
0x43: {  	s0 =	simm.s32 @!p0 $0x1  }
0x44: {  	_ =	swait.ge @!p0 [sflag:s0], s1  }
0x45: {  	s1 =	ssub.s32 @!p0 $0x0, s1;
	[sflag:s0] =	ssyncset.done @!p0 $0x0  }
0x46: {  	[sflag:s0] =	ssyncadd.s32 @!p0 s1  }
0x47: {  	[bflag:$0x3] =	sbarrier.arrive $0xFFFF  }
0x48: {  	_ =	shalt  }

</sc_bundles>
